<compile_context>
chip_gen: v7x
topology: tpu7x:2x2x1
jax: 0.10.2.dev20260603
libtpu: 0.0.44.dev20260713+nightly
codegen_flags: <defaults>
</compile_context>

<pallas_src>
import functools

import jax
import jax.numpy as jnp
from jax import lax
from jax.experimental import pallas as pl
from jax.experimental.pallas import tpu as pltpu
from jax.experimental.pallas import tpu_sc as plsc

BATCH = 16384
DIM = 64
NROWS = 1_000_000

_info = plsc.get_sparse_core_info()
_NC = _info.num_cores
_NS = _info.num_subcores
_SEG = BATCH // _NS
_ROWS_PER_SC = DIM // _NC
_NPAIR = _ROWS_PER_SC // 2

_mesh = plsc.VectorSubcoreMesh(core_axis_name="c", subcore_axis_name="s")


@functools.partial(
    pl.kernel,
    mesh=_mesh,
    out_type=jax.ShapeDtypeStruct((DIM, BATCH), jnp.float32),
    scratch_types=[
        pltpu.VMEM((_SEG,), jnp.int32),
        pltpu.VMEM((_SEG,), jnp.float32),
        pltpu.VMEM_SHARED((NROWS,), jnp.float32),
        pltpu.VMEM_SHARED((NROWS,), jnp.float32),
        pltpu.SemaphoreType.DMA,
        pltpu.SemaphoreType.DMA,
        pltpu.SemaphoreType.DMA,
    ],
)
def _gather_kernel(idx_hbm, table_hbm, out_hbm, idx_v, val_v, row_a, row_b,
                   sem_a, sem_b, sem_g):
    sc = lax.axis_index("c")
    sid = lax.axis_index("s")
    seg = sid * _SEG

    def issue(c, buf, sem):
        pltpu.async_copy(
            table_hbm.at[lax.div(c, 8)].at[lax.rem(c, 8)], buf, sem
        )

    def drain(buf, sem):
        pltpu.make_async_copy(table_hbm.at[0].at[0], buf, sem).wait()

    def gather_row(c, buf):
        pltpu.async_copy(buf.at[idx_v], val_v, sem_g).wait()
        pltpu.sync_copy(val_v, out_hbm.at[c].at[pl.ds(seg, _SEG)])

    pltpu.sync_copy(idx_hbm.at[pl.ds(seg, _SEG)], idx_v)

    @pl.when(sid == 0)
    def _():
        issue(sc, row_a, sem_a)

    def body(q, carry):
        c_a = 4 * q + sc
        c_b = c_a + 2

        plsc.subcore_barrier()

        @pl.when(sid == 1)
        def _():
            issue(c_b, row_b, sem_b)

        @pl.when(sid == 0)
        def _():
            drain(row_a, sem_a)

        plsc.subcore_barrier()
        gather_row(c_a, row_a)
        plsc.subcore_barrier()

        @pl.when(jnp.logical_and(sid == 0, q < _NPAIR - 1))
        def _():
            issue(c_a + 4, row_a, sem_a)

        @pl.when(sid == 1)
        def _():
            drain(row_b, sem_b)

        plsc.subcore_barrier()
        gather_row(c_b, row_b)
        return carry

    lax.fori_loop(0, _NPAIR, body, 0)


def kernel(batchInds, physiologicalProfile):
    table3 = physiologicalProfile.T.reshape(8, DIM // 8, NROWS)
    outT = _gather_kernel(batchInds, table3)
    return outT.T

# --- scband reference (transcript-rebuilt; emitter-appended) ---
"""Pipeline reference for scband-inference-model-6837587935551 (READ-ONLY COPY).

The authoritative reference and input builder live on the scoring server;
editing this copy changes nothing except your own understanding.
"""

import jax, jax.numpy as jnp
import numpy as np

NUM_EXPERIMENTS = 1000000
ENCODED_DIM = 64
BATCH = 16384

def setup_inputs(seed: int = 0) -> dict:
    key = jax.random.key(seed)
    k1, k2 = jax.random.split(key)
    batchInds = jax.random.randint(k1, (BATCH,), 0, NUM_EXPERIMENTS, dtype=jnp.int64 if jax.config.jax_enable_x64 else jnp.int32).astype(jnp.int32)
    # Learned parameter: physiologicalProfile[numExperiments, encodedDimension]
    physiologicalProfile = jax.random.normal(k2, (NUM_EXPERIMENTS, ENCODED_DIM), dtype=jnp.float32)
    return {"batchInds": batchInds, "physiologicalProfile": physiologicalProfile}

def reference(batchInds, physiologicalProfile):
    # Faithful translation of getCurrentPhysiologicalProfile:
    #   return self.physiologicalProfile[batchInds]
    return jnp.take(physiologicalProfile, batchInds, axis=0)

if __name__ == "__main__":
    import jax
    _d = setup_inputs()
    print(jax.jit(kernel)(*tuple(_d.values())))

</pallas_src>

<mosaic_0001>
#map = affine_map<(d0, d1) -> (0)>
#map1 = affine_map<(d0, d1) -> (0, 0, 0)>
#map2 = affine_map<(d0, d1) -> (0, 0)>
module attributes {stable_mosaic.version = 14 : i64} {
  func.func @_gather_kernel(%arg0: i32, %arg1: i32, %arg2: memref<16384xi32, #tpu.memory_space<hbm>>, %arg3: memref<8x8x1000000xf32, #tpu.memory_space<hbm>>, %arg4: memref<64x16384xf32, #tpu.memory_space<hbm>>, %arg5: memref<1024xi32, #tpu.memory_space<vmem>>, %arg6: memref<1024xf32, #tpu.memory_space<vmem>>, %arg7: memref<1000000xf32, #tpu.memory_space<vmem_shared>>, %arg8: memref<1000000xf32, #tpu.memory_space<vmem_shared>>, %arg9: memref<!tpu.dma_semaphore, #tpu.memory_space<semaphore_mem>>, %arg10: memref<!tpu.dma_semaphore, #tpu.memory_space<semaphore_mem>>, %arg11: memref<!tpu.dma_semaphore, #tpu.memory_space<semaphore_mem>>) attributes {dimension_semantics = [#tpu.dimension_semantics<core_parallel>, #tpu.dimension_semantics<subcore_parallel>], iteration_bounds = array<i64: 2, 16>, scalar_prefetch = 0 : i64, scratch_operands = 7 : i64, tpu.core_type = #tpu.core_type<sc_vector_subcore>, window_params = [{transform_indices = #map}, {transform_indices = #map1}, {transform_indices = #map2}]} {
    %mul3A = arith.constant 1024 : i32
    %mul3A_0 = arith.muli %arg1, %mul3A : i32
    "tpu.region"() ({
      %run_scoped3A = tpu.sem_alloc : memref<!tpu.dma_semaphore, #tpu.memory_space<semaphore_mem>>
      %dma_start3A = tpu.memref_slice %arg2[%mul3A_0] : memref<16384xi32, #tpu.memory_space<hbm>> -> memref<1024xi32, #tpu.memory_space<hbm>>
      %dma_start3A_8 = tpu.memref_slice %arg2[%mul3A_0] : memref<16384xi32, #tpu.memory_space<hbm>> -> memref<1024xi32, #tpu.memory_space<hbm>>
      tpu.enqueue_dma source(%dma_start3A_8 : memref<1024xi32, #tpu.memory_space<hbm>>) target(%arg5 : memref<1024xi32, #tpu.memory_space<vmem>>) target_semaphore(%run_scoped3A : memref<!tpu.dma_semaphore, #tpu.memory_space<semaphore_mem>>)
      %dma_wait3A = tpu.memref_slice %arg2[%mul3A_0] : memref<16384xi32, #tpu.memory_space<hbm>> -> memref<1024xi32, #tpu.memory_space<hbm>>
      %dma_wait3A_9 = tpu.memref_slice %arg2[%mul3A_0] : memref<16384xi32, #tpu.memory_space<hbm>> -> memref<1024xi32, #tpu.memory_space<hbm>>
      tpu.wait_dma2 semaphore(%run_scoped3A : memref<!tpu.dma_semaphore, #tpu.memory_space<semaphore_mem>>) src(%dma_wait3A_9 : memref<1024xi32, #tpu.memory_space<hbm>>) dst(%arg5 : memref<1024xi32, #tpu.memory_space<vmem>>)
      tpu.yield
    }) : () -> ()
    %eq3A = arith.constant 0 : i32
    %eq3A_1 = arith.cmpi eq, %arg1, %eq3A : i32
    %convert_element_type3A = arith.extui %eq3A_1 : i1 to i32
    %cond3A = arith.constant 0 : i32
    %cond3A_2 = arith.cmpi ne, %convert_element_type3A, %cond3A : i32
    scf.if %cond3A_2 {
      %div3A = arith.constant 8 : i32
      %div3A_8 = arith.divsi %arg0, %div3A : i32
      %rem3A = arith.constant 8 : i32
      %rem3A_9 = arith.remsi %arg0, %rem3A : i32
      %dma_start3A = arith.constant 0 : i32
      %dma_start3A_10 = arith.constant 0 : i32
      %dma_start3A_11 = tpu.memref_slice %arg3[%div3A_8, %dma_start3A, %dma_start3A_10] : memref<8x8x1000000xf32, #tpu.memory_space<hbm>> -> memref<1x8x1000000xf32, #tpu.memory_space<hbm>>
      %dma_start3A_12 = tpu.memref_squeeze %dma_start3A_11 : memref<1x8x1000000xf32, #tpu.memory_space<hbm>> -> memref<8x1000000xf32, #tpu.memory_space<hbm>>
      %dma_start3A_13 = arith.constant 0 : i32
      %dma_start3A_14 = tpu.memref_slice %dma_start3A_12[%rem3A_9, %dma_start3A_13] : memref<8x1000000xf32, #tpu.memory_space<hbm>> -> memref<1x1000000xf32, #tpu.memory_space<hbm>>
      %dma_start3A_15 = tpu.memref_squeeze %dma_start3A_14 : memref<1x1000000xf32, #tpu.memory_space<hbm>> -> memref<1000000xf32, #tpu.memory_space<hbm>>
      tpu.enqueue_dma source(%dma_start3A_15 : memref<1000000xf32, #tpu.memory_space<hbm>>) target(%arg7 : memref<1000000xf32, #tpu.memory_space<vmem_shared>>) target_semaphore(%arg9 : memref<!tpu.dma_semaphore, #tpu.memory_space<semaphore_mem>>)
    } else {
    }
    %scan3A = arith.constant 0 : i32
    %scan3A_3 = arith.constant 0 : i32
    %scan3A_4 = arith.constant 16 : i32
    %scan3A_5 = arith.addi %scan3A_3, %scan3A_4 : i32
    %scan3A_6 = arith.constant 1 : i32
    scf.for %scan3A_8 = %scan3A_3 to %scan3A_5 step %scan3A_6  : i32 {
      %mul3A_9 = arith.constant 4 : i32
      %mul3A_10 = arith.muli %mul3A_9, %scan3A_8 : i32
      %add3A = arith.addi %mul3A_10, %arg0 : i32
      %add3A_11 = arith.constant 2 : i32
      %add3A_12 = arith.addi %add3A, %add3A_11 : i32
      %barrier3A = arith.constant 0 : index
      tpu.barrier barrier_id(%barrier3A)
      %eq3A_13 = arith.constant 1 : i32
      %eq3A_14 = arith.cmpi eq, %arg1, %eq3A_13 : i32
      %convert_element_type3A_15 = arith.extui %eq3A_14 : i1 to i32
      %cond3A_16 = arith.constant 0 : i32
      %cond3A_17 = arith.cmpi ne, %convert_element_type3A_15, %cond3A_16 : i32
      scf.if %cond3A_17 {
        %div3A = arith.constant 8 : i32
        %div3A_43 = arith.divsi %add3A_12, %div3A : i32
        %rem3A = arith.constant 8 : i32
        %rem3A_44 = arith.remsi %add3A_12, %rem3A : i32
        %dma_start3A_45 = arith.constant 0 : i32
        %dma_start3A_46 = arith.constant 0 : i32
        %dma_start3A_47 = tpu.memref_slice %arg3[%div3A_43, %dma_start3A_45, %dma_start3A_46] : memref<8x8x1000000xf32, #tpu.memory_space<hbm>> -> memref<1x8x1000000xf32, #tpu.memory_space<hbm>>
        %dma_start3A_48 = tpu.memref_squeeze %dma_start3A_47 : memref<1x8x1000000xf32, #tpu.memory_space<hbm>> -> memref<8x1000000xf32, #tpu.memory_space<hbm>>
        %dma_start3A_49 = arith.constant 0 : i32
        %dma_start3A_50 = tpu.memref_slice %dma_start3A_48[%rem3A_44, %dma_start3A_49] : memref<8x1000000xf32, #tpu.memory_space<hbm>> -> memref<1x1000000xf32, #tpu.memory_space<hbm>>
        %dma_start3A_51 = tpu.memref_squeeze %dma_start3A_50 : memref<1x1000000xf32, #tpu.memory_space<hbm>> -> memref<1000000xf32, #tpu.memory_space<hbm>>
        tpu.enqueue_dma source(%dma_start3A_51 : memref<1000000xf32, #tpu.memory_space<hbm>>) target(%arg8 : memref<1000000xf32, #tpu.memory_space<vmem_shared>>) target_semaphore(%arg10 : memref<!tpu.dma_semaphore, #tpu.memory_space<semaphore_mem>>)
      } else {
      }
      %eq3A_18 = arith.constant 0 : i32
      %eq3A_19 = arith.cmpi eq, %arg1, %eq3A_18 : i32
      %convert_element_type3A_20 = arith.extui %eq3A_19 : i1 to i32
      %cond3A_21 = arith.constant 0 : i32
      %cond3A_22 = arith.cmpi ne, %convert_element_type3A_20, %cond3A_21 : i32
      scf.if %cond3A_22 {
        %dma_wait3A_43 = arith.constant 0 : i32
        %dma_wait3A_44 = arith.constant 0 : i32
        %dma_wait3A_45 = arith.constant 0 : i32
        %dma_wait3A_46 = arith.constant 0 : i32
        %dma_wait3A_47 = tpu.memref_slice %arg3[%dma_wait3A_43, %dma_wait3A_45, %dma_wait3A_46] : memref<8x8x1000000xf32, #tpu.memory_space<hbm>> -> memref<1x8x1000000xf32, #tpu.memory_space<hbm>>
        %dma_wait3A_48 = tpu.memref_squeeze %dma_wait3A_47 : memref<1x8x1000000xf32, #tpu.memory_space<hbm>> -> memref<8x1000000xf32, #tpu.memory_space<hbm>>
        %dma_wait3A_49 = arith.constant 0 : i32
        %dma_wait3A_50 = tpu.memref_slice %dma_wait3A_48[%dma_wait3A_44, %dma_wait3A_49] : memref<8x1000000xf32, #tpu.memory_space<hbm>> -> memref<1x1000000xf32, #tpu.memory_space<hbm>>
        %dma_wait3A_51 = tpu.memref_squeeze %dma_wait3A_50 : memref<1x1000000xf32, #tpu.memory_space<hbm>> -> memref<1000000xf32, #tpu.memory_space<hbm>>
        tpu.wait_dma2 semaphore(%arg9 : memref<!tpu.dma_semaphore, #tpu.memory_space<semaphore_mem>>) src(%dma_wait3A_51 : memref<1000000xf32, #tpu.memory_space<hbm>>) dst(%arg7 : memref<1000000xf32, #tpu.memory_space<vmem_shared>>)
      } else {
      }
      %barrier3A_23 = arith.constant 0 : index
      tpu.barrier barrier_id(%barrier3A_23)
      %dma_start3A = arith.constant 0 : i32
      %dma_start3A_24 = tpu.memref_slice %arg7[%dma_start3A] : memref<1000000xf32, #tpu.memory_space<vmem_shared>> -> memref<1000000xf32, #tpu.memory_space<vmem_shared>>
      tpu.enqueue_indirect_dma source(%dma_start3A_24 : memref<1000000xf32, #tpu.memory_space<vmem_shared>>) target(%arg6 : memref<1024xf32, #tpu.memory_space<vmem>>) offsets(%arg5 : memref<1024xi32, #tpu.memory_space<vmem>>) semaphore(%arg11 : memref<!tpu.dma_semaphore, #tpu.memory_space<semaphore_mem>>)
      %dma_wait3A = arith.constant 0 : i32
      %dma_wait3A_25 = tpu.memref_slice %arg7[%dma_wait3A] : memref<1000000xf32, #tpu.memory_space<vmem_shared>> -> memref<1000000xf32, #tpu.memory_space<vmem_shared>>
      tpu.wait_indirect_dma semaphore(%arg11 : memref<!tpu.dma_semaphore, #tpu.memory_space<semaphore_mem>>) src(%dma_wait3A_25 : memref<1000000xf32, #tpu.memory_space<vmem_shared>>) dst(%arg6 : memref<1024xf32, #tpu.memory_space<vmem>>)
      "tpu.region"() ({
        %run_scoped3A = tpu.sem_alloc : memref<!tpu.dma_semaphore, #tpu.memory_space<semaphore_mem>>
        %dma_start3A_43 = arith.constant 0 : i32
        %dma_start3A_44 = tpu.memref_slice %arg4[%add3A, %dma_start3A_43] : memref<64x16384xf32, #tpu.memory_space<hbm>> -> memref<1x16384xf32, #tpu.memory_space<hbm>>
        %dma_start3A_45 = tpu.memref_squeeze %dma_start3A_44 : memref<1x16384xf32, #tpu.memory_space<hbm>> -> memref<16384xf32, #tpu.memory_space<hbm>>
        %dma_start3A_46 = tpu.memref_slice %dma_start3A_45[%mul3A_0] : memref<16384xf32, #tpu.memory_space<hbm>> -> memref<1024xf32, #tpu.memory_space<hbm>>
        %dma_start3A_47 = arith.constant 0 : i32
        %dma_start3A_48 = tpu.memref_slice %arg4[%add3A, %dma_start3A_47] : memref<64x16384xf32, #tpu.memory_space<hbm>> -> memref<1x16384xf32, #tpu.memory_space<hbm>>
        %dma_start3A_49 = tpu.memref_squeeze %dma_start3A_48 : memref<1x16384xf32, #tpu.memory_space<hbm>> -> memref<16384xf32, #tpu.memory_space<hbm>>
        %dma_start3A_50 = tpu.memref_slice %dma_start3A_49[%mul3A_0] : memref<16384xf32, #tpu.memory_space<hbm>> -> memref<1024xf32, #tpu.memory_space<hbm>>
        tpu.enqueue_dma source(%arg6 : memref<1024xf32, #tpu.memory_space<vmem>>) target(%dma_start3A_50 : memref<1024xf32, #tpu.memory_space<hbm>>) target_semaphore(%run_scoped3A : memref<!tpu.dma_semaphore, #tpu.memory_space<semaphore_mem>>)
        %dma_wait3A_51 = arith.constant 0 : i32
        %dma_wait3A_52 = tpu.memref_slice %arg4[%add3A, %dma_wait3A_51] : memref<64x16384xf32, #tpu.memory_space<hbm>> -> memref<1x16384xf32, #tpu.memory_space<hbm>>
        %dma_wait3A_53 = tpu.memref_squeeze %dma_wait3A_52 : memref<1x16384xf32, #tpu.memory_space<hbm>> -> memref<16384xf32, #tpu.memory_space<hbm>>
        %dma_wait3A_54 = tpu.memref_slice %dma_wait3A_53[%mul3A_0] : memref<16384xf32, #tpu.memory_space<hbm>> -> memref<1024xf32, #tpu.memory_space<hbm>>
        %dma_wait3A_55 = arith.constant 0 : i32
        %dma_wait3A_56 = tpu.memref_slice %arg4[%add3A, %dma_wait3A_55] : memref<64x16384xf32, #tpu.memory_space<hbm>> -> memref<1x16384xf32, #tpu.memory_space<hbm>>
        %dma_wait3A_57 = tpu.memref_squeeze %dma_wait3A_56 : memref<1x16384xf32, #tpu.memory_space<hbm>> -> memref<16384xf32, #tpu.memory_space<hbm>>
        %dma_wait3A_58 = tpu.memref_slice %dma_wait3A_57[%mul3A_0] : memref<16384xf32, #tpu.memory_space<hbm>> -> memref<1024xf32, #tpu.memory_space<hbm>>
        tpu.wait_dma2 semaphore(%run_scoped3A : memref<!tpu.dma_semaphore, #tpu.memory_space<semaphore_mem>>) src(%arg6 : memref<1024xf32, #tpu.memory_space<vmem>>) dst(%dma_wait3A_58 : memref<1024xf32, #tpu.memory_space<hbm>>)
        tpu.yield
      }) : () -> ()
      %barrier3A_26 = arith.constant 0 : index
      tpu.barrier barrier_id(%barrier3A_26)
      %eq3A_27 = arith.constant 0 : i32
      %eq3A_28 = arith.cmpi eq, %arg1, %eq3A_27 : i32
      %lt3A = arith.constant 15 : i32
      %lt3A_29 = arith.cmpi slt, %scan3A_8, %lt3A : i32
      %and3A = arith.andi %eq3A_28, %lt3A_29 : i1
      %convert_element_type3A_30 = arith.extui %and3A : i1 to i32
      %cond3A_31 = arith.constant 0 : i32
      %cond3A_32 = arith.cmpi ne, %convert_element_type3A_30, %cond3A_31 : i32
      scf.if %cond3A_32 {
        %add3A_43 = arith.constant 4 : i32
        %add3A_44 = arith.addi %add3A, %add3A_43 : i32
        %div3A = arith.constant 8 : i32
        %div3A_45 = arith.divsi %add3A_44, %div3A : i32
        %rem3A = arith.constant 8 : i32
        %rem3A_46 = arith.remsi %add3A_44, %rem3A : i32
        %dma_start3A_47 = arith.constant 0 : i32
        %dma_start3A_48 = arith.constant 0 : i32
        %dma_start3A_49 = tpu.memref_slice %arg3[%div3A_45, %dma_start3A_47, %dma_start3A_48] : memref<8x8x1000000xf32, #tpu.memory_space<hbm>> -> memref<1x8x1000000xf32, #tpu.memory_space<hbm>>
        %dma_start3A_50 = tpu.memref_squeeze %dma_start3A_49 : memref<1x8x1000000xf32, #tpu.memory_space<hbm>> -> memref<8x1000000xf32, #tpu.memory_space<hbm>>
        %dma_start3A_51 = arith.constant 0 : i32
        %dma_start3A_52 = tpu.memref_slice %dma_start3A_50[%rem3A_46, %dma_start3A_51] : memref<8x1000000xf32, #tpu.memory_space<hbm>> -> memref<1x1000000xf32, #tpu.memory_space<hbm>>
        %dma_start3A_53 = tpu.memref_squeeze %dma_start3A_52 : memref<1x1000000xf32, #tpu.memory_space<hbm>> -> memref<1000000xf32, #tpu.memory_space<hbm>>
        tpu.enqueue_dma source(%dma_start3A_53 : memref<1000000xf32, #tpu.memory_space<hbm>>) target(%arg7 : memref<1000000xf32, #tpu.memory_space<vmem_shared>>) target_semaphore(%arg9 : memref<!tpu.dma_semaphore, #tpu.memory_space<semaphore_mem>>)
      } else {
      }
      %eq3A_33 = arith.constant 1 : i32
      %eq3A_34 = arith.cmpi eq, %arg1, %eq3A_33 : i32
      %convert_element_type3A_35 = arith.extui %eq3A_34 : i1 to i32
      %cond3A_36 = arith.constant 0 : i32
      %cond3A_37 = arith.cmpi ne, %convert_element_type3A_35, %cond3A_36 : i32
      scf.if %cond3A_37 {
        %dma_wait3A_43 = arith.constant 0 : i32
        %dma_wait3A_44 = arith.constant 0 : i32
        %dma_wait3A_45 = arith.constant 0 : i32
        %dma_wait3A_46 = arith.constant 0 : i32
        %dma_wait3A_47 = tpu.memref_slice %arg3[%dma_wait3A_43, %dma_wait3A_45, %dma_wait3A_46] : memref<8x8x1000000xf32, #tpu.memory_space<hbm>> -> memref<1x8x1000000xf32, #tpu.memory_space<hbm>>
        %dma_wait3A_48 = tpu.memref_squeeze %dma_wait3A_47 : memref<1x8x1000000xf32, #tpu.memory_space<hbm>> -> memref<8x1000000xf32, #tpu.memory_space<hbm>>
        %dma_wait3A_49 = arith.constant 0 : i32
        %dma_wait3A_50 = tpu.memref_slice %dma_wait3A_48[%dma_wait3A_44, %dma_wait3A_49] : memref<8x1000000xf32, #tpu.memory_space<hbm>> -> memref<1x1000000xf32, #tpu.memory_space<hbm>>
        %dma_wait3A_51 = tpu.memref_squeeze %dma_wait3A_50 : memref<1x1000000xf32, #tpu.memory_space<hbm>> -> memref<1000000xf32, #tpu.memory_space<hbm>>
        tpu.wait_dma2 semaphore(%arg10 : memref<!tpu.dma_semaphore, #tpu.memory_space<semaphore_mem>>) src(%dma_wait3A_51 : memref<1000000xf32, #tpu.memory_space<hbm>>) dst(%arg8 : memref<1000000xf32, #tpu.memory_space<vmem_shared>>)
      } else {
      }
      %barrier3A_38 = arith.constant 0 : index
      tpu.barrier barrier_id(%barrier3A_38)
      %dma_start3A_39 = arith.constant 0 : i32
      %dma_start3A_40 = tpu.memref_slice %arg8[%dma_start3A_39] : memref<1000000xf32, #tpu.memory_space<vmem_shared>> -> memref<1000000xf32, #tpu.memory_space<vmem_shared>>
      tpu.enqueue_indirect_dma source(%dma_start3A_40 : memref<1000000xf32, #tpu.memory_space<vmem_shared>>) target(%arg6 : memref<1024xf32, #tpu.memory_space<vmem>>) offsets(%arg5 : memref<1024xi32, #tpu.memory_space<vmem>>) semaphore(%arg11 : memref<!tpu.dma_semaphore, #tpu.memory_space<semaphore_mem>>)
      %dma_wait3A_41 = arith.constant 0 : i32
      %dma_wait3A_42 = tpu.memref_slice %arg8[%dma_wait3A_41] : memref<1000000xf32, #tpu.memory_space<vmem_shared>> -> memref<1000000xf32, #tpu.memory_space<vmem_shared>>
      tpu.wait_indirect_dma semaphore(%arg11 : memref<!tpu.dma_semaphore, #tpu.memory_space<semaphore_mem>>) src(%dma_wait3A_42 : memref<1000000xf32, #tpu.memory_space<vmem_shared>>) dst(%arg6 : memref<1024xf32, #tpu.memory_space<vmem>>)
      "tpu.region"() ({
        %run_scoped3A = tpu.sem_alloc : memref<!tpu.dma_semaphore, #tpu.memory_space<semaphore_mem>>
        %dma_start3A_43 = arith.constant 0 : i32
        %dma_start3A_44 = tpu.memref_slice %arg4[%add3A_12, %dma_start3A_43] : memref<64x16384xf32, #tpu.memory_space<hbm>> -> memref<1x16384xf32, #tpu.memory_space<hbm>>
        %dma_start3A_45 = tpu.memref_squeeze %dma_start3A_44 : memref<1x16384xf32, #tpu.memory_space<hbm>> -> memref<16384xf32, #tpu.memory_space<hbm>>
        %dma_start3A_46 = tpu.memref_slice %dma_start3A_45[%mul3A_0] : memref<16384xf32, #tpu.memory_space<hbm>> -> memref<1024xf32, #tpu.memory_space<hbm>>
        %dma_start3A_47 = arith.constant 0 : i32
        %dma_start3A_48 = tpu.memref_slice %arg4[%add3A_12, %dma_start3A_47] : memref<64x16384xf32, #tpu.memory_space<hbm>> -> memref<1x16384xf32, #tpu.memory_space<hbm>>
        %dma_start3A_49 = tpu.memref_squeeze %dma_start3A_48 : memref<1x16384xf32, #tpu.memory_space<hbm>> -> memref<16384xf32, #tpu.memory_space<hbm>>
        %dma_start3A_50 = tpu.memref_slice %dma_start3A_49[%mul3A_0] : memref<16384xf32, #tpu.memory_space<hbm>> -> memref<1024xf32, #tpu.memory_space<hbm>>
        tpu.enqueue_dma source(%arg6 : memref<1024xf32, #tpu.memory_space<vmem>>) target(%dma_start3A_50 : memref<1024xf32, #tpu.memory_space<hbm>>) target_semaphore(%run_scoped3A : memref<!tpu.dma_semaphore, #tpu.memory_space<semaphore_mem>>)
        %dma_wait3A_51 = arith.constant 0 : i32
        %dma_wait3A_52 = tpu.memref_slice %arg4[%add3A_12, %dma_wait3A_51] : memref<64x16384xf32, #tpu.memory_space<hbm>> -> memref<1x16384xf32, #tpu.memory_space<hbm>>
        %dma_wait3A_53 = tpu.memref_squeeze %dma_wait3A_52 : memref<1x16384xf32, #tpu.memory_space<hbm>> -> memref<16384xf32, #tpu.memory_space<hbm>>
        %dma_wait3A_54 = tpu.memref_slice %dma_wait3A_53[%mul3A_0] : memref<16384xf32, #tpu.memory_space<hbm>> -> memref<1024xf32, #tpu.memory_space<hbm>>
        %dma_wait3A_55 = arith.constant 0 : i32
        %dma_wait3A_56 = tpu.memref_slice %arg4[%add3A_12, %dma_wait3A_55] : memref<64x16384xf32, #tpu.memory_space<hbm>> -> memref<1x16384xf32, #tpu.memory_space<hbm>>
        %dma_wait3A_57 = tpu.memref_squeeze %dma_wait3A_56 : memref<1x16384xf32, #tpu.memory_space<hbm>> -> memref<16384xf32, #tpu.memory_space<hbm>>
        %dma_wait3A_58 = tpu.memref_slice %dma_wait3A_57[%mul3A_0] : memref<16384xf32, #tpu.memory_space<hbm>> -> memref<1024xf32, #tpu.memory_space<hbm>>
        tpu.wait_dma2 semaphore(%run_scoped3A : memref<!tpu.dma_semaphore, #tpu.memory_space<semaphore_mem>>) src(%arg6 : memref<1024xf32, #tpu.memory_space<vmem>>) dst(%dma_wait3A_58 : memref<1024xf32, #tpu.memory_space<hbm>>)
        tpu.yield
      }) : () -> ()
    }
    %scan3A_7 = arith.constant 16 : i32
    return
  }
}

</mosaic_0001>

<sc_bundles>
// kernel: kernel.3.cloned.1.call-start
scs
__scs_entry_jumppad:
0x0: {  	(pc) =	sbr.rel $0x88, $3  }
0x1: {  	(tag) =	ssettag $0x0;
	lr =	simm.s32 $0x1  }
0x2: {  	[smem:$0x3F9F] =	sst lr;
	_ =	strace $0xD0000000  }
0x3: {  	_ = 	snop  }
0x4: {  	_ = 	snop  }
0x5: {  	_ = 	snop  }
0x6: {  	_ = 	snop  }
0x7: {  	_ = 	snop  }
__scs_overlays_trampoline_lowered:
0x8: {  	[smem:$0x3FAE] =	sst s0  }
0x9: {  	[smem:$0x3FAF] =	sst s1  }
0xa: {  	[smem:$0x3FB0] =	sst s2  }
0xb: {  	[smem:$0x3FB1] =	sst s3  }
0xc: {  	[smem:$0x3FB2] =	sst s4  }
0xd: {  	[smem:$0x3FB3] =	sst s5  }
0xe: {  	[smem:$0x3FB4] =	sst s6  }
0xf: {  	[smem:$0x3FB5] =	sst s7  }
0x10: {  	[smem:$0x3FB6] =	sst s8  }
0x11: {  	[smem:$0x3FB7] =	sst s9;
	s0 =	simm.s32 @!p0 $0x0  }
0x12: {  	s1 =	sld [smem:$0x3F9D];
	s0 =	simm.s32 @p0 $0x1  }
0x13: {  	[smem:$0x3FB8] =	sst s0;
	s0 =	simm.s32 @!p1 $0x0  }
0x14: {  	s2 =	sld [smem:$0x3F9C];
	s0 =	simm.s32 @p1 $0x1  }
0x15: {  	[smem:$0x3FB9] =	sst s0;
	s0 =	simm.s32 @!p2 $0x0  }
0x16: {  	s3 =	sld [smem:$0x3FDB];
	s0 =	simm.s32 @p2 $0x1  }
0x17: {  	s4 =	simm.s32 $0x1BF5;
	[smem:$0x3FBB] =	sst s0  }
0x18: {  	s0 =	sld [smem:$0x3F9E];
	_ =	swait.ge [sflag:s4], $0x0  }
0x19: {  	s7 =	sld [smem:$0x3F9F]  }
0x1a: {  	s8 =	sadd.s32 $0xFFFFE003, lr  }
0x1b: {  	s9 =	sadd.s32 $0xFFFFFEF7, lr;
	s5 =	simm.s32 $0xFFFFFFFF;
	p2 =	slt.u32 s8, $0xFFFFF086  }
0x1c: {  	p1 =	slt.u32 s9, $0xF7A;
	s5 =	simm.s32 @!p2 $0x0  }
0x1d: {  	s5 =	simm.s32 @p1 $0x1;
	p0 =	seq.s32 s7, s2  }
0x1e: {  	s7 =	smul.u32 @!p0 $0xF7A, s2;
	p2 =	seq.s32 @!p0 s5, $0x0  }
0x1f: {  	s9 =	smul.u32 $0xF7A, s1;
	s8 =	simm.s32 @!p0 $0x1BF5;
	p2 =	por !p2, p0  }
0x20: {  	[sflag:s8] =	ssyncset.s32 @!p0 $0xFFFFF086;
	s6 =	sadd.s32 @!p0 s3, s7;
	s7 =	simm.s32 @!p0 $0x108  }
0x21: {  	s3 =	sadd.s32 s3, s9;
	s6 =	sadd.s32 @!p0 $0x88, s6;
	s7 =	simm.s32 @p2 $0x1082  }
0x22: {  	[simem:s7], [sflag:s8] =	dma.local @!p0 [hbm:s6], $0xF7A  }
0x23: {  	s9 =	sor.u32 $0xD0000000, s2;
	s6 =	simm.s32 $0x108;
	_ =	swait.ge @!p0 [sflag:s8], $0x0  }
0x24: {  	s3 =	sadd.s32 $0x88, s3;
	s6 =	simm.s32 @!p1 $0x1082;
	[sflag:s4] =	ssyncset.s32 $0xFFFFF086  }
0x25: {  	[simem:s6], [sflag:s4] =	dma.local [hbm:s3], $0xF7A  }
0x26: {  	[smem:$0x3F9F] =	sst s1;
	(tag) =	ssettag s2;
	_ =	strace s9  }
0x27: {  	s1 =	sld [smem:$0x3FAF]  }
0x28: {  	s2 =	sld [smem:$0x3FB0]  }
0x29: {  	s4 =	sld [smem:$0x3FB2]  }
0x2a: {  	p0 =	seq.s32 s5, $0x0;
	s5 =	sld [smem:$0x3FB3]  }
0x2b: {  	s6 =	sld [smem:$0x3FB4]  }
0x2c: {  	s7 =	sld [smem:$0x3FB5]  }
0x2d: {  	s3 =	simm.s32 $0x108;
	s8 =	sld [smem:$0x3FB6]  }
0x2e: {  	s3 =	simm.s32 @!p0 $0x1082;
	s9 =	sld [smem:$0x3FB7]  }
0x2f: {  	lr =	sadd.s32 s0, s3;
	s0 =	sld [smem:$0x3FAE]  }
0x30: {  	s3 =	sld [smem:$0x3FB1]  }
0x31: {  	[smem:$0x3FBA] =	sst s10  }
0x32: {  	s10 =	sld [smem:$0x3FB8];
	_ =	sdelay $0x3  }
0x33: {  	p0 =	seq.s32 s10, $0x1;
	s10 =	sld [smem:$0x3FBA];
	_ =	sdelay $0x3  }
0x34: {  	[smem:$0x3FBA] =	sst s10  }
0x35: {  	s10 =	sld [smem:$0x3FB9];
	_ =	sdelay $0x3  }
0x36: {  	p1 =	seq.s32 s10, $0x1;
	s10 =	sld [smem:$0x3FBA];
	_ =	sdelay $0x3  }
0x37: {  	[smem:$0x3FBA] =	sst s10  }
0x38: {  	s10 =	sld [smem:$0x3FBB]  }
0x39: {  	_ = 	snop;
	(pc) =	sbr.ind lr, $3  }
0x3a: {  	_ = 	snop  }
0x3b: {  	_ = 	snop  }
0x3c: {  	p2 =	seq.s32 s10, $0x1;
	s10 =	sld [smem:$0x3FBA]  }
0x3d: {  	_ =	shalt  }
0x3e: {  	_ =	shalt  }
0x3f: {  	_ =	shalt  }
0x40: {  	_ =	shalt  }
0x41: {  	_ =	shalt  }
0x42: {  	_ =	shalt  }
0x43: {  	_ =	shalt  }
0x44: {  	_ =	shalt  }
0x45: {  	_ =	shalt  }
0x46: {  	_ =	shalt  }
0x47: {  	_ =	shalt  }
0x48: {  	_ =	shalt  }
0x49: {  	_ =	shalt  }
0x4a: {  	_ =	shalt  }
0x4b: {  	_ =	shalt  }
0x4c: {  	_ =	shalt  }
0x4d: {  	_ =	shalt  }
0x4e: {  	_ =	shalt  }
0x4f: {  	_ =	shalt  }
0x50: {  	_ =	shalt  }
0x51: {  	_ =	shalt  }
0x52: {  	_ =	shalt  }
0x53: {  	_ =	shalt  }
0x54: {  	_ =	shalt  }
0x55: {  	_ =	shalt  }
0x56: {  	_ =	shalt  }
0x57: {  	_ =	shalt  }
0x58: {  	_ =	shalt  }
0x59: {  	_ =	shalt  }
0x5a: {  	_ =	shalt  }
0x5b: {  	_ =	shalt  }
0x5c: {  	_ =	shalt  }
0x5d: {  	_ =	shalt  }
0x5e: {  	_ =	shalt  }
0x5f: {  	_ =	shalt  }
0x60: {  	_ =	shalt  }
0x61: {  	_ =	shalt  }
0x62: {  	_ =	shalt  }
0x63: {  	_ =	shalt  }
0x64: {  	_ =	shalt  }
0x65: {  	_ =	shalt  }
0x66: {  	_ =	shalt  }
0x67: {  	_ =	shalt  }
0x68: {  	_ =	shalt  }
0x69: {  	_ =	shalt  }
0x6a: {  	_ =	shalt  }
0x6b: {  	_ =	shalt  }
0x6c: {  	_ =	shalt  }
0x6d: {  	_ =	shalt  }
0x6e: {  	_ =	shalt  }
0x6f: {  	_ =	shalt  }
0x70: {  	_ =	shalt  }
0x71: {  	_ =	shalt  }
0x72: {  	_ =	shalt  }
0x73: {  	_ =	shalt  }
0x74: {  	_ =	shalt  }
0x75: {  	_ =	shalt  }
0x76: {  	_ =	shalt  }
0x77: {  	_ =	shalt  }
0x78: {  	_ =	shalt  }
0x79: {  	_ =	shalt  }
0x7a: {  	_ =	shalt  }
0x7b: {  	_ =	shalt  }
0x7c: {  	_ =	shalt  }
0x7d: {  	_ =	shalt  }
0x7e: {  	_ =	shalt  }
0x7f: {  	_ =	shalt  }
0x80: {  	_ =	shalt  }
0x81: {  	_ =	shalt  }
0x82: {  	_ =	shalt  }
0x83: {  	_ =	shalt  }
0x84: {  	_ =	shalt  }
0x85: {  	_ =	shalt  }
0x86: {  	_ =	shalt  }
0x87: {  	_ =	shalt  }
.Lfunc_end0:
.L_simem_size_0:
called_computation_lowered:
.L_overlay_start_0:
0x88: {  	s2 =	sld [smem:$0x3FD9]  }
0x89: {  	s3 =	sld [smem:$0x3FFE];
	_ =	sdelay $0x1  }
0x8a: {  	s1 =	srdreg.scid  }
0x8b: {  	s0 =	sand.u32 $0x1, s1  }
0x8c: {  	s18 =	sshll.u32 s0, $0xA;
	s2 =	sadd.s32 s3, s2  }
0x8d: {  	s2 =	sadd.s32 s2, s18  }
0x8e: {  	[smem:$0x3FC6] =	sst s2  }
0x8f: {  	_ = 	snop  }
0x90: {  	s2 =	sld [smem:$0x3FC9]  }
0x91: {  	s19 =	sld [smem:$0x3FC8]  }
0x92: {  	s4 =	sld [smem:$0x3FD0];
	(tm) =	ssettm $0x1  }
0x93: {  	s5 =	sld [smem:$0x3FFB];
	_ =	sdelay $0x3  }
0x94: {  	_ =	strace s5  }
0x95: {  	s5 =	sld [smem:$0x3FFC];
	_ =	sdelay $0x3  }
0x96: {  	_ =	strace s5  }
0x97: {  	s5 =	sld [smem:$0x3FFD];
	_ =	sdelay $0x3  }
0x98: {  	_ =	strace s5  }
0x99: {  	_ =	strace $0x8FFFFFFF  }
0x9a: {  	s20 =	sld [smem:$0x3FDB];
	_ =	sdelay $0x1  }
0x9b: {  	s6 =	simm.s32 $_scs_section_size  }
0x9c: {  	s7 =	simm.s32 $_size__tile_overlayer_lowered;
	s8 =	simm.s32 $_tile_overlayer_lowered  }
0x9d: {  	s23 =	simm.s32 $0x1BFF;
	s22 =	sshll.u32 s8, $0x1;
	s5 =	sadd.s32 s6, s20  }
0x9e: {  	s9 =	simm.s32 $0x0;
	s21 =	sshll.u32 s7, $0x1;
	s7 =	sadd.s32 s22, s5  }
0x9f: {  	[timem:s9], [sflag:s23] =	dma.local [hbm:s7], s21  }
0xa0: {  	_ =	swait.ge [sflag:s23], s21  }
0xa1: {  	s6 =	ssub.s32 $0x0, s21;
	[sflag:s23] =	ssyncset.done $0x0  }
0xa2: {  	[sflag:s23] =	ssyncadd.s32 s6;
	_ =	sdelay $0x1  }
0xa3: {  	s24 =	simm.s32 $0x1B8B  }
0xa4: {  	_ =	swait.ge [sflag:s24], $0x1  }
0xa5: {  	[sflag:s24] =	ssyncset.done $0x0  }
0xa6: {  	s25 =	simm.s32 $0x1B8E;
	[sflag:s24] =	ssyncadd.s32 $0xFFFFFFFF  }
0xa7: {  	s26 =	simm.s32 $execute0_lowered;
	[smem:$0x3FD2] =	sst s25  }
0xa8: {  	s6 =	sshll.u32 s26, $0x1;
	_ =	strace $0x80000046;
	[dreg:$0x1] =	wrdreg $0xFFFFFFFF  }
0xa9: {  	s28 =	simm.s32 $_size_execute0_lowered;
	s5 =	sadd.s32 s5, s6;
	[dreg:$0x0] =	wrdreg $0x0  }
0xaa: {  	s6 =	sshll.u32 s28, $0x1;
	[dreg:$0x2] =	wrdreg s5  }
0xab: {  	[dreg:$0x3] =	wrdreg s6  }
0xac: {  	[dreg:$0x4] =	wrdreg $0xC0  }
0xad: {  	_ =	task [dreg:s9], $0x5FFFF  }
0xae: {  	[dreg:$0x1] =	wrdreg $0xFFFFFFFF  }
0xaf: {  	[dreg:$0x0] =	wrdreg $0x60  }
0xb0: {  	[dreg:$0x2] =	wrdreg s2  }
0xb1: {  	[dreg:$0x3] =	wrdreg s19  }
0xb2: {  	[dreg:$0x4] =	wrdreg s4  }
0xb3: {  	[dreg:$0x5] =	wrdreg $0x8000  }
0xb4: {  	[dreg:$0x6] =	wrdreg $0xFC280  }
0xb5: {  	[dreg:$0x7] =	wrdreg $0x9  }
0xb6: {  	_ =	task.clear_ibuf [dreg:s9], $0x8FFFF;
	_ =	strace $0x90000046  }
0xb7: {  	s29 =	simm.s32 $0x9;
	_ =	strace $0x80000048  }
0xb8: {  	_ =	swait.ge [sflag:s29], $0x1  }
0xb9: {  	[sflag:s29] =	ssyncadd.s32 $0xFFFFFFFF  }
0xba: {  	_ =	strace $0x90000048  }
0xbb: {  	_ =	sfence  }
0xbc: {  	s30 =	sld [smem:$0x0];
	_ =	sdelay $0x2  }
0xbd: {  	s31 =	sshll.u32 s1, $0xD;
	s1 =	sshrl.u32 s1, $0x2  }
0xbe: {  	s3 =	sand.u32 $0x4000, s31;
	s1 =	sadd.s32 s1, s30  }
0xbf: {  	s0 =	sor.u32 s3, s0;
	s1 =	sshll.u32 s1, $0x11  }
0xc0: {  	s0 =	sor.u32 s1, s0  }
0xc1: {  	s0 =	sadd.s32 $0x8F2B, s0  }
0xc2: {  	[sflag:s0] =	ssyncadd.remote.s32 $0x1  }
0xc3: {  	_ =	sfence.sel $0xFFFF  }
0xc4: {  	[dreg:$0x0] =	wrdreg $0xFFFFFFFF;
	(pc) =	sbr.abs _section_cstart, $3  }
0xc5: {  	[dreg:$0x1] =	wrdreg $0xFFFFFFFF  }
0xc6: {  	_ =	task.clear_ibuf [dreg:s9], $0x2FFFF;
	_ =	strace $0x9FFFFFFF  }
0xc7: {  	(tm) =	ssettm $0x7FFFFFFF  }
tec
execute0_lowered:
.L_overlay_start_1:
0x0: {  	(tag) =	ssettag $0x1  }
0x1: {  	s7 =	rddreg [dreg:$0x0]  }
0x2: {  	s1 =	rddreg [dreg:$0x1]  }
0x3: {  	s2 =	rddreg [dreg:$0x2]  }
0x4: {  	s3 =	rddreg [dreg:$0x3]  }
0x5: {  	s4 =	rddreg [dreg:$0x4]  }
0x6: {  	s6 =	srdreg.scid;
	s5 =	simm.s32 $0x0;
	s22 =	stileid.u32  }
0x7: {  	s11 =	simm.s32 $0x4;
	s15 =	simm.s32 $0x400;
	s16 =	simm.s32 $0x3  }
0x8: {  	s17 =	simm.s32 $0x80;
	s19 =	simm.s32 $0x1;
	s20 =	simm.s32 $0x10  }
0x9: {  	s21 =	simm.s32 $0x1C01;
	s10 =	sand.u32 $0x1, s6;
	[smem:$0x7FF] =	sst s5  }
0xa: {  	s31 =	sshll.u32 s22, $0x7;
	p1 =	seq.s32 s22, $0x0;
	p0 =	sne.s32 s22, $0x0  }
0xb: {  	s18 =	sshrl.u32 s3, $0x3;
	p3 =	sne.s32 s22, $0x1;
	s6 =	ssub.s32 $0x2, s10  }
.Ltmp0:
0xc: {  	_ =	strace $0x80000047;
	s7 =	sadd.s32 s7, s31;
	(pc) =	sbr.rel .LBB2_1-.Ltmp0, $4  }
0xd: {  	p2 =	sne.s32 @!p1 s22, $0x1;
	s13 =	sshrl.u32 @!p0 s3, $0x3;
	s8 =	sshrl.u32 s6, $0x1  }
0xe: {  	p2 =	por p2, p1;
	s9 =	ssub.s32 s6, s8;
	s6 =	sshll.u32 s22, $0xA  }
0xf: {  	s8 =	sshll.u32 s10, $0x4;
	s10 =	sor.u32 $0x4, s10;
	s14 =	sshrl.u32 @!p2 s4, $0x3  }
0x10: {  	s22 =	simm.s32 $0x0;
	s9 =	smax.u32 s9, $0x1;
	s12 =	sadd.s32 @!p0 s8, s1  }
.LBB2_6:
0x11: {  	s22 =	sadd.s32 $0x1, s22  }
0x12: {  	p4 =	sne.s32 s22, s9  }
.Ltmp1:
0x13: {  	_ = 	snop;
	(pc) =	sbr.rel @!p4 .LBB2_7-.Ltmp1, $1  }
0x14: {  	_ =	sdelay $0x3  }
.LBB2_1:
0x15: {  	[tilespmem:s5], [sflag:$0x4] =	stream.linear.gather [hbm4b:s7+s5], $0x400, $0x38;
	[tilespmem:$0x1F050] =	vst v63  }
0x16: {  	s23 =	simm.s32 @!p0 $0x1;
	_ =	swait.ge [sflag:s11], $0x400  }
.Ltmp2:
0x17: {  	s24 =	simm.s32 @!p0 $0x10;
	[sflag:s11] =	ssyncset.done $0x0;
	(pc) =	sbr.rel .LBB2_2-.Ltmp2, $4  }
0x18: {  	s25 =	simm.s32 @!p0 $0x80;
	s26 =	simm.s32 @!p0 $0x1C01;
	[sflag:s11] =	ssyncadd.s32 $0xFFFFFC00  }
0x19: {  	[spmem:s13@s24], [sflag:s26] =	dma.strided @!p0 [hbm:s12@s25], $0x1E850, s23, $0x10   }
0x1a: {  	s23 =	simm.s32 $0x0  }
0x1b: {  	s24 =	smov.u32 s10;
	s25 =	simm.s32 $0x0;
	s26 =	simm.s32 $0x0  }
.LBB2_4:
0x1c: {  	s0 =	simm.s32 @!p3 $0x2  }
0x1d: {  	_ =	swait.ge @!p3 [sflag:s0], $0x1E850  }
0x1e: {  	[sflag:s0] =	ssyncset.done @!p3 $0x0  }
0x1f: {  	[sflag:s0] =	ssyncadd.s32 @!p3 $0xFFFE17B0  }
.LBB2_5:
0x20: {  	[bflag:$0x0] =	sbarrier.arrive $0xFFFF;
	s0 =	sadd.s32 $0x20, s29  }
0x21: {  	[tilespmem:s15], [sflag:$0x3] =	stream.indirect.gather [spmem:s4], $0x1, s5, s15, $0xb8;
	[tilespmem:$0x1F050] =	vst v63  }
0x22: {  	s25 =	sadd.s32 $0x40, s25;
	s0 =	sand.u32 $0x70, s0;
	_ =	swait.ge [sflag:s16], $0x400  }
0x23: {  	p4 =	sne.s32 s25, $0x400;
	s0 =	sadd.s32 s0, s28;
	[sflag:s16] =	ssyncset.done $0x0  }
.Ltmp3:
0x24: {  	s0 =	sadd.s32 s6, s0;
	[sflag:s16] =	ssyncadd.s32 $0xFFFFFC00;
	(pc) =	sbr.rel @!p4 .LBB2_6-.Ltmp3, $4  }
0x25: {  	[hbm4b:s0+s17] =	stream.strided.scatter [tilespmem:s15], [sflag:$0x4], $0x400, s15, s17, $0x38;
	[tilespmem:$0x1F050] =	vst v63  }
0x26: {  	_ =	swait.ge [sflag:s11], $0x400  }
0x27: {  	s26 =	sadd.s32 $0x1, s26;
	[sflag:s11] =	ssyncset.done $0x0  }
0x28: {  	s24 =	sadd.s32 $0x4, s24;
	s23 =	sadd.s32 $0x2000, s23;
	[sflag:s11] =	ssyncadd.s32 $0xFFFFFC00  }
.LBB2_2:
0x29: {  	[bflag:$0x0] =	sbarrier.arrive $0xFFFF  }
0x2a: {  	s28 =	sshrl.u32 @!p2 s26, $0x1;
	s29 =	simm.s32 @p1 $0x1;
	s30 =	sadd.s32 @!p2 s25, s8  }
0x2b: {  	s31 =	simm.s32 @!p2 $0x80;
	s28 =	smul.u32 @!p2 $0xF4280, s28;
	_ =	swait.ge @p1 [sflag:s29], $0x1E850  }
0x2c: {  	s0 =	simm.s32 @!p2 $0x1C42;
	s30 =	sadd.s32 @!p2 $0x20, s30;
	[sflag:s29] =	ssyncset.done @p1 $0x0  }
0x2d: {  	s30 =	sand.u32 @!p2 $0x70, s30;
	s28 =	sadd.s32 @!p2 s1, s28;
	[sflag:s29] =	ssyncadd.s32 @p1 $0xFFFE17B0  }
0x2e: {  	s29 =	simm.s32 @!p2 $0x1;
	s28 =	sadd.s32 @!p2 s30, s28;
	s30 =	simm.s32 @!p2 $0x10  }
0x2f: {  	[spmem:s14@s30], [sflag:s0] =	dma.strided @!p2 [hbm:s28@s31], $0x1E850, s29, $0x10   }
0x30: {  	s0 =	sand.u32 $0x1C000, s23;
	s29 =	sadd.s32 s25, s8;
	[bflag:$0x0] =	sbarrier.arrive $0xFFFF  }
0x31: {  	[tilespmem:s15], [sflag:$0x3] =	stream.indirect.gather [spmem:s3], $0x1, s5, s15, $0xb8;
	[tilespmem:$0x1F050] =	vst v63  }
0x32: {  	s31 =	sand.u32 $0x50, s29;
	s28 =	sadd.s32 s2, s0;
	_ =	swait.ge [sflag:s16], $0x400  }
0x33: {  	p4 =	seq.s32 @!p0 s25, $0x3C0;
	s0 =	sadd.s32 s31, s28;
	[sflag:s16] =	ssyncset.done $0x0  }
0x34: {  	p4 =	por p0, p4;
	s0 =	sadd.s32 s6, s0;
	[sflag:s16] =	ssyncadd.s32 $0xFFFFFC00  }
0x35: {  	[hbm4b:s0+s17] =	stream.strided.scatter [tilespmem:s15], [sflag:$0x4], $0x400, s15, s17, $0x38;
	[tilespmem:$0x1F050] =	vst v63  }
.Ltmp4:
0x36: {  	_ =	swait.ge [sflag:s11], $0x400;
	(pc) =	sbr.rel @p4 .LBB2_4-.Ltmp4, $3  }
0x37: {  	[sflag:s11] =	ssyncset.done $0x0  }
0x38: {  	[sflag:s11] =	ssyncadd.s32 $0xFFFFFC00  }
0x39: {  	[bflag:$0x0] =	sbarrier.arrive $0xFFFF;
	_ =	sdelay $0x1  }
0x3a: {  	s0 =	sshrl.u32 s24, $0x3  }
0x3b: {  	s0 =	smul.u32 $0xF4280, s0  }
.Ltmp5:
0x3c: {  	_ = 	snop;
	(pc) =	sbr.rel .LBB2_5-.Ltmp5, $4  }
0x3d: {  	s30 =	sadd.s32 $0x40, s29  }
0x3e: {  	s30 =	sand.u32 $0x50, s30;
	s0 =	sadd.s32 s1, s0  }
0x3f: {  	s0 =	sadd.s32 s30, s0  }
0x40: {  	[spmem:s18@s20], [sflag:s21] =	dma.strided [hbm:s0@s17], $0x1E850, s19, $0x10   }
.LBB2_7:
0x41: {  	_ =	sfence.sel $0x180000  }
0x42: {  	[bflag:$0x0] =	sbarrier.arrive $0xFFFF  }
0x43: {  	_ =	strace $0x90000047  }
0x44: {  	[bflag:$0x2] =	sbarrier.arrive $0xFFFF  }
0x45: {  	s0 =	rddreg [dreg:$0x5]  }
0x46: {  	s0 =	sadd.s32 @!p0 $0x100000, s0  }
0x47: {  	[sflag:s0] =	ssyncadd.tile.s32 @!p0 $0x1;
	_ =	shalt  }
.Lfunc_end2:
_tile_overlayer_lowered:
.L_overlay_start_2:
0x48: {  	(tag) =	ssettag $0x2  }
0x49: {  	s0 =	rddreg [dreg:$0x0];
	s2 =	stileid.u32  }
0x4a: {  	s1 =	rddreg [dreg:$0x1];
	p0 =	sne.s32 s2, $0x0  }
0x4b: {  	s3 =	rddreg [dreg:$0x2];
	[bflag:$0x3] =	sbarrier.arrive $0xFFFF;
	s2 =	simm.s32 @!p0 $0x1C04  }
0x4c: {  	[timem:s3], [sflag:s2] =	dma.local @!p0 [hbm:s0], s1  }
0x4d: {  	s0 =	simm.s32 @!p0 $0x4  }
0x4e: {  	_ =	swait.ge @!p0 [sflag:s0], s1  }
0x4f: {  	s1 =	ssub.s32 @!p0 $0x0, s1;
	[sflag:s0] =	ssyncset.done @!p0 $0x0  }
0x50: {  	[sflag:s0] =	ssyncadd.s32 @!p0 s1  }
0x51: {  	[bflag:$0x3] =	sbarrier.arrive $0xFFFF  }
0x52: {  	_ =	shalt  }

</sc_bundles>
